<compile_context>
chip_gen: v7x
topology: tpu7x:2x2x1
jax: 0.10.2.dev20260603
libtpu: 0.0.44.dev20260713+nightly
codegen_flags: <defaults>
</compile_context>

<pallas_src>
import functools

import jax
import jax.numpy as jnp
from jax import lax
from jax.experimental import pallas as pl
from jax.experimental.pallas import tpu as pltpu
from jax.experimental.pallas import tpu_sc as plsc

N_BITS = 16
BATCH = 1024
MAX_TABLE = 1 << (N_BITS - 1)

NC = 1
NS = 16
NW = 8
ROWS = BATCH // NW
GROUPS = ROWS // 16


def _mapper_body(bits_hbm, tabs_hbm, out_hbm, bits_v, idx_v, got_v, out_v, sem):
    wid = lax.axis_index("s") * NC + lax.axis_index("c")
    base = wid * ROWS

    @pl.when(wid < NW)
    def _active_worker():
        _worker(bits_hbm, tabs_hbm, out_hbm, bits_v, idx_v, got_v, out_v, sem, base)


def _worker(bits_hbm, tabs_hbm, out_hbm, bits_v, idx_v, got_v, out_v, sem, base):
    pltpu.sync_copy(bits_hbm.at[:, pl.ds(base, ROWS)], bits_v)

    lane = lax.iota(jnp.int32, 16)
    zero = lane * 0

    def idx_body(g, carry):
        gbase = g * 16

        def p_body(p, addr):
            phys = (
                ((p >> 3) << 18)
                + ((addr >> 7) << 10)
                + ((p & 7) << 7)
                + (addr & 127)
            )
            idx_v[pl.ds(p * ROWS + gbase, 16)] = phys
            col = bits_v[15 - p, pl.ds(gbase, 16)]
            return addr + (col << p)

        lax.fori_loop(0, N_BITS, p_body, zero)
        return carry

    lax.fori_loop(0, GROUPS, idx_body, 0)

    pltpu.async_copy(tabs_hbm.at[idx_v], got_v, sem).wait()

    def out_body(g, carry):
        gbase = g * 16

        def c_body(c, carry2):
            bf = bits_v[c, pl.ds(gbase, 16)].astype(jnp.float32)
            t = got_v[pl.ds((15 - c) * ROWS + gbase, 16)]
            out_v[c, pl.ds(gbase, 16)] = bf + t - 2.0 * bf * t
            return carry2

        lax.fori_loop(0, N_BITS, c_body, carry)
        return carry

    lax.fori_loop(0, GROUPS, out_body, 0)

    pltpu.sync_copy(out_v, out_hbm.at[:, pl.ds(base, ROWS)])


@functools.cache
def _build_mapper():
    return functools.partial(
        pl.kernel,
        out_type=jax.ShapeDtypeStruct((N_BITS, BATCH), jnp.float32),
        mesh=plsc.VectorSubcoreMesh(
            core_axis_name="c", subcore_axis_name="s", num_cores=NC
        ),
        compiler_params=pltpu.CompilerParams(
            needs_layout_passes=False,
            disable_bounds_checks=True,
            disable_semaphore_checks=True,
            skip_device_barrier=True,
        ),
        scratch_types=[
            pltpu.VMEM((N_BITS, ROWS), jnp.int32),
            pltpu.VMEM((N_BITS * ROWS,), jnp.int32),
            pltpu.VMEM((N_BITS * ROWS,), jnp.float32),
            pltpu.VMEM((N_BITS, ROWS), jnp.float32),
            pltpu.SemaphoreType.DMA,
        ],
    )(_mapper_body)


def kernel(bits, tables):
    bits_t = bits.T
    tabs_flat = tables.reshape(2, 8, 256, 128).transpose(0, 2, 1, 3).reshape(-1)
    out_t = _build_mapper()(bits_t, tabs_flat)
    return out_t.T

# --- scband reference (transcript-rebuilt; emitter-appended) ---
"""Pipeline reference for scband-bit-level-mapper-27668179321269 (READ-ONLY COPY).

The authoritative reference and input builder live on the scoring server;
editing this copy changes nothing except your own understanding.
"""

import jax, jax.numpy as jnp
import numpy as np

N_BITS = 16
BATCH = 1024
MAX_TABLE = 2 ** (N_BITS - 1)


def setup_inputs(seed: int = 0) -> dict:
    key = jax.random.key(seed)
    k1, k2 = jax.random.split(key)
    bits = jax.random.randint(k1, (BATCH, N_BITS), 0, 2, dtype=jnp.int32)
    # One RAM table per output bit position. For CUMULATIVE+FLIP mode,
    # bit_pos i uses input_bits = max(1, i) context bits -> table of 2^max(1,i) cells.
    # We store them padded into a single [N_BITS, 2^(N_BITS-1)] array; entries are 0/1.
    tables = jax.random.randint(k2, (N_BITS, MAX_TABLE), 0, 2).astype(jnp.float32)
    return {"bits": bits, "tables": tables}


def reference(bits, tables):
    # Faithful vectorized translation of BitLevelMapper.forward with
    # context_mode=CUMULATIVE, output_mode=FLIP.
    # bits are stored MSB-first: bits[:, 0] is the highest bit, bits[:, n_bits-1] the lowest.
    # For bit_pos p (p-th lowest bit):
    #   context = bits[:, n_bits-p:] reversed  (i.e. the p lower bits, LSB-first)
    #   mapper_out = RAM lookup: tables[p, addr] with addr = sum_j context[j] * 2^j
    #   out[:, n_bits-p-1] = input_bit XOR mapper_out
    batch, n_bits = bits.shape
    bits_f = bits.astype(jnp.float32)
    vals = [None] * n_bits
    for bit_pos in range(n_bits):
        input_bit = bits_f[:, n_bits - bit_pos - 1]
        if bit_pos == 0:
            # context is zeros(1) -> address 0
            addr = jnp.zeros((batch,), dtype=jnp.int32)
        else:
            ctx = bits[:, n_bits - bit_pos:][:, ::-1]  # [batch, bit_pos], ctx[:, j] = j-th lowest bit
            weights = (2 ** jnp.arange(bit_pos, dtype=jnp.int32))
            addr = jnp.sum(ctx * weights[None, :], axis=1)
        t = tables[bit_pos, addr]  # RAM gather; t in {0.0, 1.0}
        # XOR on {0,1} values, expressed arithmetically: a ^ b = a + b - 2ab
        out_bit = input_bit + t - 2.0 * input_bit * t
        vals[bit_pos] = out_bit
    # output column c corresponds to bit_pos = n_bits - 1 - c
    outputs = jnp.stack([vals[n_bits - 1 - c] for c in range(n_bits)], axis=1)
    return outputs

if __name__ == "__main__":
    import jax
    _d = setup_inputs()
    print(jax.jit(kernel)(*tuple(_d.values())))

</pallas_src>

<mosaic_0001>
#map = affine_map<(d0, d1) -> (0, 0)>
#map1 = affine_map<(d0, d1) -> (0)>
module attributes {stable_mosaic.version = 14 : i64} {
  func.func @_mapper_body(%arg0: i32, %arg1: i32, %arg2: memref<16x1024xi32, #tpu.memory_space<hbm>>, %arg3: memref<524288xf32, #tpu.memory_space<hbm>>, %arg4: memref<16x1024xf32, #tpu.memory_space<hbm>>, %arg5: memref<16x128xi32, #tpu.memory_space<vmem>>, %arg6: memref<2048xi32, #tpu.memory_space<vmem>>, %arg7: memref<2048xf32, #tpu.memory_space<vmem>>, %arg8: memref<16x128xf32, #tpu.memory_space<vmem>>, %arg9: memref<!tpu.dma_semaphore, #tpu.memory_space<semaphore_mem>>) attributes {dimension_semantics = [#tpu.dimension_semantics<core_parallel>, #tpu.dimension_semantics<subcore_parallel>], iteration_bounds = array<i64: 1, 16>, scalar_prefetch = 0 : i64, scratch_operands = 5 : i64, tpu.core_type = #tpu.core_type<sc_vector_subcore>, window_params = [{transform_indices = #map}, {transform_indices = #map1}, {transform_indices = #map}]} {
    %mul3A = arith.constant 1 : i32
    %mul3A_0 = arith.muli %arg1, %mul3A : i32
    %add3A = arith.addi %mul3A_0, %arg0 : i32
    %mul3A_1 = arith.constant 128 : i32
    %mul3A_2 = arith.muli %add3A, %mul3A_1 : i32
    %lt3A = arith.constant 8 : i32
    %lt3A_3 = arith.cmpi slt, %add3A, %lt3A : i32
    %convert_element_type3A = arith.extui %lt3A_3 : i1 to i32
    %cond3A = arith.constant 0 : i32
    %cond3A_4 = arith.cmpi ne, %convert_element_type3A, %cond3A : i32
    scf.if %cond3A_4 {
      "tpu.region"() ({
        %run_scoped3A = tpu.sem_alloc : memref<!tpu.dma_semaphore, #tpu.memory_space<semaphore_mem>>
        %dma_start3A_21 = arith.constant 0 : i32
        %dma_start3A_22 = tpu.memref_slice %arg2[%dma_start3A_21, %mul3A_2] : memref<16x1024xi32, #tpu.memory_space<hbm>> -> memref<16x128xi32, #tpu.memory_space<hbm>>
        %dma_start3A_23 = arith.constant 0 : i32
        %dma_start3A_24 = tpu.memref_slice %arg2[%dma_start3A_23, %mul3A_2] : memref<16x1024xi32, #tpu.memory_space<hbm>> -> memref<16x128xi32, #tpu.memory_space<hbm>>
        tpu.enqueue_dma source(%dma_start3A_24 : memref<16x128xi32, #tpu.memory_space<hbm>>) target(%arg5 : memref<16x128xi32, #tpu.memory_space<vmem>>) target_semaphore(%run_scoped3A : memref<!tpu.dma_semaphore, #tpu.memory_space<semaphore_mem>>)
        %dma_wait3A_25 = arith.constant 0 : i32
        %dma_wait3A_26 = tpu.memref_slice %arg2[%dma_wait3A_25, %mul3A_2] : memref<16x1024xi32, #tpu.memory_space<hbm>> -> memref<16x128xi32, #tpu.memory_space<hbm>>
        %dma_wait3A_27 = arith.constant 0 : i32
        %dma_wait3A_28 = tpu.memref_slice %arg2[%dma_wait3A_27, %mul3A_2] : memref<16x1024xi32, #tpu.memory_space<hbm>> -> memref<16x128xi32, #tpu.memory_space<hbm>>
        tpu.wait_dma2 semaphore(%run_scoped3A : memref<!tpu.dma_semaphore, #tpu.memory_space<semaphore_mem>>) src(%dma_wait3A_28 : memref<16x128xi32, #tpu.memory_space<hbm>>) dst(%arg5 : memref<16x128xi32, #tpu.memory_space<vmem>>)
        tpu.yield
      }) : () -> ()
      %iota3A = tpu.iota {dimensions = array<i32: 0>} : vector<16xi32>
      %mul3A_5 = arith.constant 0 : i32
      %mul3A_6 = vector.broadcast %mul3A_5 : i32 to vector<16xi32>
      %mul3A_7 = arith.muli %iota3A, %mul3A_6 : vector<16xi32>
      %scan3A = arith.constant 0 : i32
      %scan3A_8 = arith.constant 0 : i32
      %scan3A_9 = arith.constant 8 : i32
      %scan3A_10 = arith.addi %scan3A_8, %scan3A_9 : i32
      %scan3A_11 = arith.constant 1 : i32
      scf.for %scan3A_21 = %scan3A_8 to %scan3A_10 step %scan3A_11  : i32 {
        %mul3A_22 = arith.constant 16 : i32
        %mul3A_23 = arith.muli %scan3A_21, %mul3A_22 : i32
        %scan3A_24 = arith.constant 0 : i32
        %scan3A_25 = arith.constant 16 : i32
        %scan3A_26 = arith.addi %scan3A_24, %scan3A_25 : i32
        %scan3A_27 = arith.constant 1 : i32
        %scan3A_28 = scf.for %scan3A_30 = %scan3A_24 to %scan3A_26 step %scan3A_27 iter_args(%scan3A_31 = %mul3A_7) -> (vector<16xi32>)  : i32 {
          %shift_right_arithmetic3A = arith.constant 3 : i32
          %shift_right_arithmetic3A_32 = arith.shrsi %scan3A_30, %shift_right_arithmetic3A : i32
          %shift_left3A = arith.constant 18 : i32
          %shift_left3A_33 = arith.shli %shift_right_arithmetic3A_32, %shift_left3A : i32
          %shift_right_arithmetic3A_34 = arith.constant 7 : i32
          %shift_right_arithmetic3A_35 = vector.broadcast %shift_right_arithmetic3A_34 : i32 to vector<16xi32>
          %shift_right_arithmetic3A_36 = arith.shrsi %scan3A_31, %shift_right_arithmetic3A_35 : vector<16xi32>
          %shift_left3A_37 = arith.constant 10 : i32
          %shift_left3A_38 = vector.broadcast %shift_left3A_37 : i32 to vector<16xi32>
          %shift_left3A_39 = arith.shli %shift_right_arithmetic3A_36, %shift_left3A_38 : vector<16xi32>
          %add3A_40 = vector.broadcast %shift_left3A_33 : i32 to vector<16xi32>
          %add3A_41 = arith.addi %add3A_40, %shift_left3A_39 : vector<16xi32>
          %and3A = arith.constant 7 : i32
          %and3A_42 = arith.andi %scan3A_30, %and3A : i32
          %shift_left3A_43 = arith.constant 7 : i32
          %shift_left3A_44 = arith.shli %and3A_42, %shift_left3A_43 : i32
          %add3A_45 = vector.broadcast %shift_left3A_44 : i32 to vector<16xi32>
          %add3A_46 = arith.addi %add3A_41, %add3A_45 : vector<16xi32>
          %and3A_47 = arith.constant 127 : i32
          %and3A_48 = vector.broadcast %and3A_47 : i32 to vector<16xi32>
          %and3A_49 = arith.andi %scan3A_31, %and3A_48 : vector<16xi32>
          %add3A_50 = arith.addi %add3A_46, %and3A_49 : vector<16xi32>
          %mul3A_51 = arith.constant 128 : i32
          %mul3A_52 = arith.muli %scan3A_30, %mul3A_51 : i32
          %add3A_53 = arith.addi %mul3A_52, %mul3A_23 : i32
          %swap3A = arith.index_cast %add3A_53 : i32 to index
          %swap3A_54 = tpu.vector_load %arg6[%swap3A] {strides = array<i32>} : memref<2048xi32, #tpu.memory_space<vmem>>, vector<16xi32>,
          tpu.vector_store %arg6[%swap3A], %add3A_50 {strides = array<i32>} : memref<2048xi32, #tpu.memory_space<vmem>>, vector<16xi32>,
          %sub3A = arith.constant 15 : i32
          %sub3A_55 = arith.subi %sub3A, %scan3A_30 : i32
          %get3A = arith.index_cast %sub3A_55 : i32 to index
          %get3A_56 = arith.index_cast %mul3A_23 : i32 to index
          %get3A_57 = tpu.vector_load %arg5[%get3A, %get3A_56] {strides = array<i32>} : memref<16x128xi32, #tpu.memory_space<vmem>>, vector<16xi32>,
          %shift_left3A_58 = vector.broadcast %scan3A_30 : i32 to vector<16xi32>
          %shift_left3A_59 = arith.shli %get3A_57, %shift_left3A_58 : vector<16xi32>
          %add3A_60 = arith.addi %scan3A_31, %shift_left3A_59 : vector<16xi32>
          scf.yield %add3A_60 : vector<16xi32>
        }
        %scan3A_29 = arith.constant 16 : i32
      }
      %scan3A_12 = arith.constant 8 : i32
      %dma_start3A = arith.constant 0 : i32
      %dma_start3A_13 = tpu.memref_slice %arg3[%dma_start3A] : memref<524288xf32, #tpu.memory_space<hbm>> -> memref<524288xf32, #tpu.memory_space<hbm>>
      tpu.enqueue_indirect_dma source(%dma_start3A_13 : memref<524288xf32, #tpu.memory_space<hbm>>) target(%arg7 : memref<2048xf32, #tpu.memory_space<vmem>>) offsets(%arg6 : memref<2048xi32, #tpu.memory_space<vmem>>) semaphore(%arg9 : memref<!tpu.dma_semaphore, #tpu.memory_space<semaphore_mem>>)
      %dma_wait3A = arith.constant 0 : i32
      %dma_wait3A_14 = tpu.memref_slice %arg3[%dma_wait3A] : memref<524288xf32, #tpu.memory_space<hbm>> -> memref<524288xf32, #tpu.memory_space<hbm>>
      tpu.wait_indirect_dma semaphore(%arg9 : memref<!tpu.dma_semaphore, #tpu.memory_space<semaphore_mem>>) src(%dma_wait3A_14 : memref<524288xf32, #tpu.memory_space<hbm>>) dst(%arg7 : memref<2048xf32, #tpu.memory_space<vmem>>)
      %scan3A_15 = arith.constant 0 : i32
      %scan3A_16 = arith.constant 0 : i32
      %scan3A_17 = arith.constant 8 : i32
      %scan3A_18 = arith.addi %scan3A_16, %scan3A_17 : i32
      %scan3A_19 = arith.constant 1 : i32
      scf.for %scan3A_21 = %scan3A_16 to %scan3A_18 step %scan3A_19  : i32 {
        %mul3A_22 = arith.constant 16 : i32
        %mul3A_23 = arith.muli %scan3A_21, %mul3A_22 : i32
        %scan3A_24 = arith.constant 0 : i32
        %scan3A_25 = arith.constant 16 : i32
        %scan3A_26 = arith.addi %scan3A_24, %scan3A_25 : i32
        %scan3A_27 = arith.constant 1 : i32
        scf.for %scan3A_29 = %scan3A_24 to %scan3A_26 step %scan3A_27  : i32 {
          %get3A = arith.index_cast %scan3A_29 : i32 to index
          %get3A_30 = arith.index_cast %mul3A_23 : i32 to index
          %get3A_31 = tpu.vector_load %arg5[%get3A, %get3A_30] {strides = array<i32>} : memref<16x128xi32, #tpu.memory_space<vmem>>, vector<16xi32>,
          %convert_element_type3A_32 = arith.sitofp %get3A_31 : vector<16xi32> to vector<16xf32>
          %sub3A = arith.constant 15 : i32
          %sub3A_33 = arith.subi %sub3A, %scan3A_29 : i32
          %mul3A_34 = arith.constant 128 : i32
          %mul3A_35 = arith.muli %sub3A_33, %mul3A_34 : i32
          %add3A_36 = arith.addi %mul3A_35, %mul3A_23 : i32
          %get3A_37 = arith.index_cast %add3A_36 : i32 to index
          %get3A_38 = tpu.vector_load %arg7[%get3A_37] {strides = array<i32>} : memref<2048xf32, #tpu.memory_space<vmem>>, vector<16xf32>,
          %add3A_39 = arith.addf %convert_element_type3A_32, %get3A_38 : vector<16xf32>
          %mul3A_40 = arith.constant 2.000000e+00 : f32
          %mul3A_41 = vector.broadcast %mul3A_40 : f32 to vector<16xf32>
          %mul3A_42 = arith.mulf %mul3A_41, %convert_element_type3A_32 : vector<16xf32>
          %mul3A_43 = arith.mulf %mul3A_42, %get3A_38 : vector<16xf32>
          %sub3A_44 = arith.subf %add3A_39, %mul3A_43 : vector<16xf32>
          %swap3A = arith.index_cast %scan3A_29 : i32 to index
          %swap3A_45 = arith.index_cast %mul3A_23 : i32 to index
          %swap3A_46 = tpu.vector_load %arg8[%swap3A, %swap3A_45] {strides = array<i32>} : memref<16x128xf32, #tpu.memory_space<vmem>>, vector<16xf32>,
          tpu.vector_store %arg8[%swap3A, %swap3A_45], %sub3A_44 {strides = array<i32>} : memref<16x128xf32, #tpu.memory_space<vmem>>, vector<16xf32>,
        }
        %scan3A_28 = arith.constant 16 : i32
      }
      %scan3A_20 = arith.constant 8 : i32
      "tpu.region"() ({
        %run_scoped3A = tpu.sem_alloc : memref<!tpu.dma_semaphore, #tpu.memory_space<semaphore_mem>>
        %dma_start3A_21 = arith.constant 0 : i32
        %dma_start3A_22 = tpu.memref_slice %arg4[%dma_start3A_21, %mul3A_2] : memref<16x1024xf32, #tpu.memory_space<hbm>> -> memref<16x128xf32, #tpu.memory_space<hbm>>
        %dma_start3A_23 = arith.constant 0 : i32
        %dma_start3A_24 = tpu.memref_slice %arg4[%dma_start3A_23, %mul3A_2] : memref<16x1024xf32, #tpu.memory_space<hbm>> -> memref<16x128xf32, #tpu.memory_space<hbm>>
        tpu.enqueue_dma source(%arg8 : memref<16x128xf32, #tpu.memory_space<vmem>>) target(%dma_start3A_24 : memref<16x128xf32, #tpu.memory_space<hbm>>) target_semaphore(%run_scoped3A : memref<!tpu.dma_semaphore, #tpu.memory_space<semaphore_mem>>)
        %dma_wait3A_25 = arith.constant 0 : i32
        %dma_wait3A_26 = tpu.memref_slice %arg4[%dma_wait3A_25, %mul3A_2] : memref<16x1024xf32, #tpu.memory_space<hbm>> -> memref<16x128xf32, #tpu.memory_space<hbm>>
        %dma_wait3A_27 = arith.constant 0 : i32
        %dma_wait3A_28 = tpu.memref_slice %arg4[%dma_wait3A_27, %mul3A_2] : memref<16x1024xf32, #tpu.memory_space<hbm>> -> memref<16x128xf32, #tpu.memory_space<hbm>>
        tpu.wait_dma2 semaphore(%run_scoped3A : memref<!tpu.dma_semaphore, #tpu.memory_space<semaphore_mem>>) src(%arg8 : memref<16x128xf32, #tpu.memory_space<vmem>>) dst(%dma_wait3A_28 : memref<16x128xf32, #tpu.memory_space<hbm>>)
        tpu.yield
      }) : () -> ()
    } else {
    }
    return
  }
}

</mosaic_0001>

<sc_bundles>
// kernel: kernel.3.cloned.1.call-start
scs
__scs_entry_jumppad:
0x0: {  	(pc) =	sbr.rel $0x88, $3  }
0x1: {  	(tag) =	ssettag $0x0;
	lr =	simm.s32 $0x1  }
0x2: {  	[smem:$0x3F9F] =	sst lr;
	_ =	strace $0xD0000000  }
0x3: {  	_ = 	snop  }
0x4: {  	_ = 	snop  }
0x5: {  	_ = 	snop  }
0x6: {  	_ = 	snop  }
0x7: {  	_ = 	snop  }
__scs_overlays_trampoline_lowered:
0x8: {  	[smem:$0x3FAE] =	sst s0  }
0x9: {  	[smem:$0x3FAF] =	sst s1  }
0xa: {  	[smem:$0x3FB0] =	sst s2  }
0xb: {  	[smem:$0x3FB1] =	sst s3  }
0xc: {  	[smem:$0x3FB2] =	sst s4  }
0xd: {  	[smem:$0x3FB3] =	sst s5  }
0xe: {  	[smem:$0x3FB4] =	sst s6  }
0xf: {  	[smem:$0x3FB5] =	sst s7  }
0x10: {  	[smem:$0x3FB6] =	sst s8  }
0x11: {  	[smem:$0x3FB7] =	sst s9;
	s0 =	simm.s32 @!p0 $0x0  }
0x12: {  	s1 =	sld [smem:$0x3F9D];
	s0 =	simm.s32 @p0 $0x1  }
0x13: {  	[smem:$0x3FB8] =	sst s0;
	s0 =	simm.s32 @!p1 $0x0  }
0x14: {  	s2 =	sld [smem:$0x3F9C];
	s0 =	simm.s32 @p1 $0x1  }
0x15: {  	[smem:$0x3FB9] =	sst s0;
	s0 =	simm.s32 @!p2 $0x0  }
0x16: {  	s3 =	sld [smem:$0x3FDB];
	s0 =	simm.s32 @p2 $0x1  }
0x17: {  	s4 =	simm.s32 $0x1BF5;
	[smem:$0x3FBB] =	sst s0  }
0x18: {  	s0 =	sld [smem:$0x3F9E];
	_ =	swait.ge [sflag:s4], $0x0  }
0x19: {  	s7 =	sld [smem:$0x3F9F]  }
0x1a: {  	s8 =	sadd.s32 $0xFFFFE003, lr  }
0x1b: {  	s9 =	sadd.s32 $0xFFFFFEF7, lr;
	s5 =	simm.s32 $0xFFFFFFFF;
	p2 =	slt.u32 s8, $0xFFFFF086  }
0x1c: {  	p1 =	slt.u32 s9, $0xF7A;
	s5 =	simm.s32 @!p2 $0x0  }
0x1d: {  	s5 =	simm.s32 @p1 $0x1;
	p0 =	seq.s32 s7, s2  }
0x1e: {  	s7 =	smul.u32 @!p0 $0xF7A, s2;
	p2 =	seq.s32 @!p0 s5, $0x0  }
0x1f: {  	s9 =	smul.u32 $0xF7A, s1;
	s8 =	simm.s32 @!p0 $0x1BF5;
	p2 =	por !p2, p0  }
0x20: {  	[sflag:s8] =	ssyncset.s32 @!p0 $0xFFFFF086;
	s6 =	sadd.s32 @!p0 s3, s7;
	s7 =	simm.s32 @!p0 $0x108  }
0x21: {  	s3 =	sadd.s32 s3, s9;
	s6 =	sadd.s32 @!p0 $0x88, s6;
	s7 =	simm.s32 @p2 $0x1082  }
0x22: {  	[simem:s7], [sflag:s8] =	dma.local @!p0 [hbm:s6], $0xF7A  }
0x23: {  	s9 =	sor.u32 $0xD0000000, s2;
	s6 =	simm.s32 $0x108;
	_ =	swait.ge @!p0 [sflag:s8], $0x0  }
0x24: {  	s3 =	sadd.s32 $0x88, s3;
	s6 =	simm.s32 @!p1 $0x1082;
	[sflag:s4] =	ssyncset.s32 $0xFFFFF086  }
0x25: {  	[simem:s6], [sflag:s4] =	dma.local [hbm:s3], $0xF7A  }
0x26: {  	[smem:$0x3F9F] =	sst s1;
	(tag) =	ssettag s2;
	_ =	strace s9  }
0x27: {  	s1 =	sld [smem:$0x3FAF]  }
0x28: {  	s2 =	sld [smem:$0x3FB0]  }
0x29: {  	s4 =	sld [smem:$0x3FB2]  }
0x2a: {  	p0 =	seq.s32 s5, $0x0;
	s5 =	sld [smem:$0x3FB3]  }
0x2b: {  	s6 =	sld [smem:$0x3FB4]  }
0x2c: {  	s7 =	sld [smem:$0x3FB5]  }
0x2d: {  	s3 =	simm.s32 $0x108;
	s8 =	sld [smem:$0x3FB6]  }
0x2e: {  	s3 =	simm.s32 @!p0 $0x1082;
	s9 =	sld [smem:$0x3FB7]  }
0x2f: {  	lr =	sadd.s32 s0, s3;
	s0 =	sld [smem:$0x3FAE]  }
0x30: {  	s3 =	sld [smem:$0x3FB1]  }
0x31: {  	[smem:$0x3FBA] =	sst s10  }
0x32: {  	s10 =	sld [smem:$0x3FB8];
	_ =	sdelay $0x3  }
0x33: {  	p0 =	seq.s32 s10, $0x1;
	s10 =	sld [smem:$0x3FBA];
	_ =	sdelay $0x3  }
0x34: {  	[smem:$0x3FBA] =	sst s10  }
0x35: {  	s10 =	sld [smem:$0x3FB9];
	_ =	sdelay $0x3  }
0x36: {  	p1 =	seq.s32 s10, $0x1;
	s10 =	sld [smem:$0x3FBA];
	_ =	sdelay $0x3  }
0x37: {  	[smem:$0x3FBA] =	sst s10  }
0x38: {  	s10 =	sld [smem:$0x3FBB]  }
0x39: {  	_ = 	snop;
	(pc) =	sbr.ind lr, $3  }
0x3a: {  	_ = 	snop  }
0x3b: {  	_ = 	snop  }
0x3c: {  	p2 =	seq.s32 s10, $0x1;
	s10 =	sld [smem:$0x3FBA]  }
0x3d: {  	_ =	shalt  }
0x3e: {  	_ =	shalt  }
0x3f: {  	_ =	shalt  }
0x40: {  	_ =	shalt  }
0x41: {  	_ =	shalt  }
0x42: {  	_ =	shalt  }
0x43: {  	_ =	shalt  }
0x44: {  	_ =	shalt  }
0x45: {  	_ =	shalt  }
0x46: {  	_ =	shalt  }
0x47: {  	_ =	shalt  }
0x48: {  	_ =	shalt  }
0x49: {  	_ =	shalt  }
0x4a: {  	_ =	shalt  }
0x4b: {  	_ =	shalt  }
0x4c: {  	_ =	shalt  }
0x4d: {  	_ =	shalt  }
0x4e: {  	_ =	shalt  }
0x4f: {  	_ =	shalt  }
0x50: {  	_ =	shalt  }
0x51: {  	_ =	shalt  }
0x52: {  	_ =	shalt  }
0x53: {  	_ =	shalt  }
0x54: {  	_ =	shalt  }
0x55: {  	_ =	shalt  }
0x56: {  	_ =	shalt  }
0x57: {  	_ =	shalt  }
0x58: {  	_ =	shalt  }
0x59: {  	_ =	shalt  }
0x5a: {  	_ =	shalt  }
0x5b: {  	_ =	shalt  }
0x5c: {  	_ =	shalt  }
0x5d: {  	_ =	shalt  }
0x5e: {  	_ =	shalt  }
0x5f: {  	_ =	shalt  }
0x60: {  	_ =	shalt  }
0x61: {  	_ =	shalt  }
0x62: {  	_ =	shalt  }
0x63: {  	_ =	shalt  }
0x64: {  	_ =	shalt  }
0x65: {  	_ =	shalt  }
0x66: {  	_ =	shalt  }
0x67: {  	_ =	shalt  }
0x68: {  	_ =	shalt  }
0x69: {  	_ =	shalt  }
0x6a: {  	_ =	shalt  }
0x6b: {  	_ =	shalt  }
0x6c: {  	_ =	shalt  }
0x6d: {  	_ =	shalt  }
0x6e: {  	_ =	shalt  }
0x6f: {  	_ =	shalt  }
0x70: {  	_ =	shalt  }
0x71: {  	_ =	shalt  }
0x72: {  	_ =	shalt  }
0x73: {  	_ =	shalt  }
0x74: {  	_ =	shalt  }
0x75: {  	_ =	shalt  }
0x76: {  	_ =	shalt  }
0x77: {  	_ =	shalt  }
0x78: {  	_ =	shalt  }
0x79: {  	_ =	shalt  }
0x7a: {  	_ =	shalt  }
0x7b: {  	_ =	shalt  }
0x7c: {  	_ =	shalt  }
0x7d: {  	_ =	shalt  }
0x7e: {  	_ =	shalt  }
0x7f: {  	_ =	shalt  }
0x80: {  	_ =	shalt  }
0x81: {  	_ =	shalt  }
0x82: {  	_ =	shalt  }
0x83: {  	_ =	shalt  }
0x84: {  	_ =	shalt  }
0x85: {  	_ =	shalt  }
0x86: {  	_ =	shalt  }
0x87: {  	_ =	shalt  }
.Lfunc_end0:
.L_simem_size_0:
called_computation_lowered:
.L_overlay_start_0:
0x88: {  	s0 =	sld [smem:$0x3FD9]  }
0x89: {  	s1 =	sld [smem:$0x3FFE];
	_ =	sdelay $0x3  }
0x8a: {  	s0 =	sadd.s32 s1, s0  }
0x8b: {  	[smem:$0x3FC6] =	sst s0  }
0x8c: {  	_ = 	snop  }
0x8d: {  	s0 =	sld [smem:$0x3FC9]  }
0x8e: {  	s17 =	sld [smem:$0x3FC8]  }
0x8f: {  	s2 =	sld [smem:$0x3FD0];
	(tm) =	ssettm $0x1  }
0x90: {  	s3 =	sld [smem:$0x3FFB];
	_ =	sdelay $0x3  }
0x91: {  	_ =	strace s3  }
0x92: {  	s3 =	sld [smem:$0x3FFC];
	_ =	sdelay $0x3  }
0x93: {  	_ =	strace s3  }
0x94: {  	s3 =	sld [smem:$0x3FFD];
	_ =	sdelay $0x3  }
0x95: {  	_ =	strace s3  }
0x96: {  	_ =	strace $0x8FFFFFFF  }
0x97: {  	s18 =	sld [smem:$0x3FDB];
	_ =	sdelay $0x1  }
0x98: {  	s4 =	simm.s32 $_scs_section_size  }
0x99: {  	s5 =	simm.s32 $_size__tile_overlayer_lowered;
	s6 =	simm.s32 $_tile_overlayer_lowered  }
0x9a: {  	s21 =	simm.s32 $0x1BFF;
	s20 =	sshll.u32 s6, $0x1;
	s3 =	sadd.s32 s4, s18  }
0x9b: {  	s7 =	simm.s32 $0x0;
	s19 =	sshll.u32 s5, $0x1;
	s5 =	sadd.s32 s20, s3  }
0x9c: {  	[timem:s7], [sflag:s21] =	dma.local [hbm:s5], s19  }
0x9d: {  	_ =	swait.ge [sflag:s21], s19  }
0x9e: {  	s4 =	ssub.s32 $0x0, s19;
	[sflag:s21] =	ssyncset.done $0x0  }
0x9f: {  	[sflag:s21] =	ssyncadd.s32 s4;
	_ =	sdelay $0x1  }
0xa0: {  	s22 =	simm.s32 $0x1B8B  }
0xa1: {  	_ =	swait.ge [sflag:s22], $0x1  }
0xa2: {  	[sflag:s22] =	ssyncset.done $0x0  }
0xa3: {  	s23 =	simm.s32 $0x1B8E;
	[sflag:s22] =	ssyncadd.s32 $0xFFFFFFFF  }
0xa4: {  	s24 =	simm.s32 $execute0_lowered;
	[smem:$0x3FD2] =	sst s23  }
0xa5: {  	s4 =	sshll.u32 s24, $0x1;
	_ =	strace $0x80000046;
	[dreg:$0x1] =	wrdreg $0xFFFFFFFF  }
0xa6: {  	s25 =	simm.s32 $_size_execute0_lowered;
	s3 =	sadd.s32 s3, s4;
	[dreg:$0x0] =	wrdreg $0x0  }
0xa7: {  	s4 =	sshll.u32 s25, $0x1;
	[dreg:$0x2] =	wrdreg s3  }
0xa8: {  	[dreg:$0x3] =	wrdreg s4  }
0xa9: {  	[dreg:$0x4] =	wrdreg $0xC0  }
0xaa: {  	_ =	task [dreg:s7], $0x5FFFF  }
0xab: {  	[dreg:$0x1] =	wrdreg $0xFFFFFFFF  }
0xac: {  	[dreg:$0x0] =	wrdreg $0x60  }
0xad: {  	[dreg:$0x2] =	wrdreg s0  }
0xae: {  	[dreg:$0x3] =	wrdreg s17  }
0xaf: {  	[dreg:$0x4] =	wrdreg s2  }
0xb0: {  	[dreg:$0x5] =	wrdreg $0x9  }
0xb1: {  	_ =	task.clear_ibuf [dreg:s7], $0x6FFFF;
	_ =	strace $0x90000046  }
0xb2: {  	s26 =	simm.s32 $0x9;
	_ =	strace $0x80000048  }
0xb3: {  	_ =	swait.ge [sflag:s26], $0x1  }
0xb4: {  	[sflag:s26] =	ssyncadd.s32 $0xFFFFFFFF  }
0xb5: {  	_ =	strace $0x90000048  }
0xb6: {  	_ =	sfence  }
0xb7: {  	s28 =	sld [smem:$0x0];
	_ =	sdelay $0x1  }
0xb8: {  	s29 =	srdreg.scid  }
0xb9: {  	s30 =	sshll.u32 s29, $0xD;
	s31 =	sshrl.u32 s29, $0x2  }
0xba: {  	s1 =	sand.u32 $0x1, s29;
	s2 =	sand.u32 $0x4000, s30;
	s0 =	sadd.s32 s31, s28  }
0xbb: {  	s1 =	sor.u32 s2, s1;
	s0 =	sshll.u32 s0, $0x11  }
0xbc: {  	s0 =	sor.u32 s0, s1  }
0xbd: {  	s0 =	sadd.s32 $0x8F2B, s0  }
0xbe: {  	[sflag:s0] =	ssyncadd.remote.s32 $0x1  }
0xbf: {  	_ =	sfence.sel $0xFFFF  }
0xc0: {  	[dreg:$0x0] =	wrdreg $0xFFFFFFFF;
	(pc) =	sbr.abs _section_cstart, $3  }
0xc1: {  	[dreg:$0x1] =	wrdreg $0xFFFFFFFF  }
0xc2: {  	_ =	task.clear_ibuf [dreg:s7], $0x2FFFF;
	_ =	strace $0x9FFFFFFF  }
0xc3: {  	(tm) =	ssettm $0x7FFFFFFF  }
tec
execute0_lowered:
.L_overlay_start_1:
0x0: {  	(tag) =	ssettag $0x1  }
0x1: {  	s1 =	stileid.u32  }
0x2: {  	p0 =	sgt.u32 s1, $0x7  }
.Ltmp0:
0x3: {  	s5 =	rddreg [dreg:$0x0];
	(pc) =	sbr.rel @p0 .LBB2_10-.Ltmp0, $4  }
0x4: {  	s3 =	rddreg [dreg:$0x1]  }
0x5: {  	s2 =	rddreg [dreg:$0x2];
	s4 =	simm.s32 $0x0  }
0x6: {  	[smem:$0x7FF] =	sst s4  }
0x7: {  	s0 =	rddreg [dreg:$0x3];
	_ =	strace $0x80000047  }
0x8: {  	s6 =	sshll.u32 s1, $0x7;
	s7 =	simm.s32 $0x400  }
0x9: {  	s8 =	simm.s32 $0x2000;
	s31 =	simm.s32 $0x2;
	s5 =	sadd.s32 s5, s6  }
0xa: {  	[tilespmem:s4], [sflag:$0x2] =	stream.strided.gather [hbm4b:s5+s7], $0x800, s8, s7, $0x38;
	[tilespmem:$0x2000] =	vst v63  }
0xb: {  	_ =	swait.ge [sflag:s31], $0x800  }
0xc: {  	s2 =	sadd.s32 s2, s6;
	[sflag:s31] =	ssyncset.done $0x0  }
0xd: {  	s6 =	simm.s32 $0x780;
	s5 =	simm.s32 $0x800;
	[sflag:s31] =	ssyncadd.s32 $0xFFFFF800  }
.LBB2_2:
0xe: {  	v0 =	vimm.s32 $0x0;
	s7 =	simm.s32 $0x0  }
0xf: {  	s8 =	sand.u32 $0x40000, s7;
	v1 =	vshll.u32 v0, $0x3;
	s9 =	sand.u32 $0x380, s7  }
0x10: {  	v1 =	vand.u32 $0xFFFFFC00, v1;
	s8 =	sor.u32 s8, s9  }
0x11: {  	v2 =	vand.u32 $0x7F, v0;
	v1 =	vadd.s32 s8, v1  }
0x12: {  	v1 =	vor.u32 v2, v1  }
0x13: {  	[tilespmem:s5+$0x0] =	vst v1  }
0x14: {  	v1 =	vld [tilespmem:s6+$0x0];
	_ =	sdelay $0x4  }
0x15: {  	s31 =	simm.s32 $0x8000;
	v1 =	vshll.u32 v1, s7  }
0x16: {  	s10 =	simm.s32 $0x10000;
	s11 =	smov.u32 s6;
	s9 =	simm.s32 $0x80;
	v0 =	vadd.s32 v0, v1  }
0x17: {  	s12 =	sand.u32 $0x40000, s31;
	s13 =	sand.u32 $0x380, s9;
	s8 =	smov.u32 s5;
	v1 =	vshll.u32 v0, $0x3  }
.LBB2_3:
0x18: {  	p0 =	sne.s32 s10, $0x78000;
	v1 =	vand.u32 $0xFFFFFC00, v1;
	s12 =	sor.u32 s12, s13  }
0x19: {  	v2 =	vand.u32 $0x7F, v0;
	v1 =	vadd.s32 s12, v1  }
0x1a: {  	s8 =	sadd.s32 $0x80, s8;
	v1 =	vor.u32 v2, v1  }
0x1b: {  	s11 =	sadd.s32 $0xFFFFFF80, s11;
	[tilespmem:s8+$0x0] =	vst v1  }
0x1c: {  	v1 =	vld [tilespmem:s11+$0x0];
	_ =	sdelay $0x2  }
.Ltmp1:
0x1d: {  	(pc) =	sbr.rel @p0 .LBB2_3-.Ltmp1, $4  }
0x1e: {  	s7 =	sadd.s32 $0x1, s7  }
0x1f: {  	v1 =	vshll.u32 v1, s7  }
0x20: {  	s9 =	sadd.s32 $0x80, s9;
	v0 =	vadd.s32 v0, v1  }
0x21: {  	s12 =	sand.u32 $0x40000, s10;
	s13 =	sand.u32 $0x380, s9;
	s10 =	sadd.s32 $0x8000, s10;
	v1 =	vshll.u32 v0, $0x3  }
0x22: {  	s4 =	sadd.s32 $0x1, s4  }
0x23: {  	p0 =	sne.s32 s4, $0x8  }
.Ltmp2:
0x24: {  	_ = 	snop;
	(pc) =	sbr.rel @p0 .LBB2_2-.Ltmp2, $4  }
0x25: {  	v1 =	vand.u32 $0xFFFFFC00, v1;
	s7 =	sor.u32 s12, s13  }
0x26: {  	v0 =	vand.u32 $0x7F, v0;
	v1 =	vadd.s32 s7, v1  }
0x27: {  	s31 =	sadd.s32 $0x80, s8;
	v0 =	vor.u32 v0, v1  }
0x28: {  	s5 =	sadd.s32 $0x10, s5;
	s6 =	sadd.s32 $0x10, s6;
	[tilespmem:s31+$0x0] =	vst v0  }
0x29: {  	s4 =	simm.s32 $0x800;
	s5 =	simm.s32 $0x1000;
	s31 =	simm.s32 $0x1  }
0x2a: {  	[tilespmem:s5], [sflag:$0x1] =	stream.indirect.gather [hbm4b:s3+s4], $0x1, s4, s4, $0xb8;
	[tilespmem:$0x2000] =	vst v63  }
0x2b: {  	_ =	swait.ge [sflag:s31], $0x800  }
0x2c: {  	s6 =	simm.s32 $0x0;
	s3 =	simm.s32 $0x0;
	[sflag:s31] =	ssyncset.done $0x0  }
0x2d: {  	s4 =	simm.s32 $0x1800;
	s5 =	simm.s32 $0x1780;
	[sflag:s31] =	ssyncadd.s32 $0xFFFFF800  }
.LBB2_6:
0x2e: {  	v1 =	vmov s3;
	_ =	sdelay $0x3  }
0x2f: {  	s8 =	simm.s32 $0x0  }
0x30: {  	v0 =	vld.idx.msk [tilespmem:v1+s8+$0x0 ss:$0x1], $0xffff;
	_ =	sdelay $0x3  }
0x31: {  	v2 =	vld [tilespmem:s5+$0x0]  }
0x32: {  	v3 =	vcvt.s32.f32 v0;
	_ =	sdelay $0x1  }
0x33: {  	v4 =	vadd.f32 v3, v3  }
0x34: {  	v0 =	vmov s4  }
0x35: {  	v3 =	vadd.f32 v3, v2;
	v2 =	vmul.f32 v4, v2;
	_ =	sdelay $0x1  }
0x36: {  	v2 =	vsub.f32 v3, v2;
	_ =	sdelay $0x1  }
0x37: {  	s7 =	simm.s32 $0x80;
	s9 =	simm.s32 $0x400;
	[tilespmem:v0+s8+$0x0 ss:$0x1] =	vst.idx.msk $0xffff, v2;
	s8 =	smov.u32 s5  }
.LBB2_7:
0x38: {  	p0 =	sne.s32 s9, $0x1E00;
	v2 =	vld.idx.msk [tilespmem:v1+s7+$0x0 ss:$0x1], $0xffff;
	_ =	sdelay $0x3  }
0x39: {  	s8 =	sadd.s32 $0xFFFFFF80, s8  }
0x3a: {  	v3 =	vld [tilespmem:s8+$0x0]  }
0x3b: {  	v2 =	vcvt.s32.f32 v2;
	_ =	sdelay $0x1  }
0x3c: {  	v4 =	vadd.f32 v2, v2;
	_ =	sdelay $0x1  }
.Ltmp3:
0x3d: {  	v2 =	vadd.f32 v2, v3;
	v3 =	vmul.f32 v4, v3;
	(pc) =	sbr.rel @p0 .LBB2_7-.Ltmp3, $3  }
0x3e: {  	_ = 	snop  }
0x3f: {  	v2 =	vsub.f32 v2, v3;
	_ =	sdelay $0x1  }
0x40: {  	[tilespmem:v0+s7+$0x0 ss:$0x1] =	vst.idx.msk $0xffff, v2;
	s7 =	sshra.s32 s9, $0x2;
	s9 =	sadd.s32 $0x200, s9  }
0x41: {  	_ =	sdelay $0x3  }
0x42: {  	v1 =	vld.idx.msk [tilespmem:v1+s7+$0x0 ss:$0x1], $0xffff;
	_ =	sdelay $0x2  }
0x43: {  	s8 =	sadd.s32 $0xFFFFFF80, s8  }
0x44: {  	v2 =	vld [tilespmem:s8+$0x0]  }
0x45: {  	v1 =	vcvt.s32.f32 v1;
	_ =	sdelay $0x1  }
0x46: {  	s6 =	sadd.s32 $0x1, s6;
	v3 =	vadd.f32 v1, v1  }
0x47: {  	p0 =	sne.s32 s6, $0x8  }
.Ltmp4:
0x48: {  	v1 =	vadd.f32 v1, v2;
	v2 =	vmul.f32 v3, v2;
	(pc) =	sbr.rel @p0 .LBB2_6-.Ltmp4, $3  }
0x49: {  	_ = 	snop  }
0x4a: {  	v1 =	vsub.f32 v1, v2;
	_ =	sdelay $0x1  }
0x4b: {  	s4 =	sadd.s32 $0x10, s4;
	s3 =	sadd.s32 $0x10, s3;
	s5 =	sadd.s32 $0x10, s5;
	[tilespmem:v0+s7+$0x0 ss:$0x1] =	vst.idx.msk $0xffff, v1  }
0x4c: {  	s3 =	simm.s32 $0x400  }
0x4d: {  	s4 =	simm.s32 $0x2000;
	s5 =	simm.s32 $0x1800;
	s31 =	simm.s32 $0x2  }
0x4e: {  	[hbm4b:s2+s3] =	stream.strided.scatter [tilespmem:s5], [sflag:$0x2], $0x800, s4, s3, $0x38;
	[tilespmem:$0x2000] =	vst v63  }
0x4f: {  	_ =	swait.ge [sflag:s31], $0x800  }
0x50: {  	[sflag:s31] =	ssyncset.done $0x0  }
0x51: {  	[sflag:s31] =	ssyncadd.s32 $0xFFFFF800  }
.LBB2_10:
0x52: {  	_ =	sfence.sel $0x180000  }
0x53: {  	[bflag:$0x0] =	sbarrier.arrive $0xFFFF  }
0x54: {  	p0 =	sne.s32 s1, $0x0;
	_ =	strace $0x90000047  }
0x55: {  	s0 =	sadd.s32 @!p0 $0x100000, s0;
	[bflag:$0x2] =	sbarrier.arrive $0xFFFF  }
0x56: {  	[sflag:s0] =	ssyncadd.tile.s32 @!p0 $0x1;
	_ =	shalt  }
.Lfunc_end2:
_tile_overlayer_lowered:
.L_overlay_start_2:
0x57: {  	(tag) =	ssettag $0x2  }
0x58: {  	s0 =	rddreg [dreg:$0x0];
	s2 =	stileid.u32  }
0x59: {  	s1 =	rddreg [dreg:$0x1];
	p0 =	sne.s32 s2, $0x0  }
0x5a: {  	s3 =	rddreg [dreg:$0x2];
	[bflag:$0x3] =	sbarrier.arrive $0xFFFF;
	s2 =	simm.s32 @!p0 $0x1C02  }
0x5b: {  	[timem:s3], [sflag:s2] =	dma.local @!p0 [hbm:s0], s1  }
0x5c: {  	s0 =	simm.s32 @!p0 $0x2  }
0x5d: {  	_ =	swait.ge @!p0 [sflag:s0], s1  }
0x5e: {  	s1 =	ssub.s32 @!p0 $0x0, s1;
	[sflag:s0] =	ssyncset.done @!p0 $0x0  }
0x5f: {  	[sflag:s0] =	ssyncadd.s32 @!p0 s1  }
0x60: {  	[bflag:$0x3] =	sbarrier.arrive $0xFFFF  }
0x61: {  	_ =	shalt  }

</sc_bundles>
